<compile_context>
chip_gen: v7x
topology: tpu7x:2x2x1
jax: 0.10.2.dev20260603
libtpu: 0.0.44.dev20260713+nightly
codegen_flags: <defaults>
</compile_context>

<pallas_src>
import functools

import jax
import jax.numpy as jnp
from jax import lax
from jax.experimental import pallas as pl
from jax.experimental.pallas import tpu as pltpu
from jax.experimental.pallas import tpu_sc as plsc

TOPK = 60
THRESHOLD = 0.15
NMS_THRESHOLD = 0.05
NMS_TOPK = 20
PAD = 64
B = 16

NEG = float('-inf')


def _topk_body(cls_ref, idx_ref, log_ref):
    i864 = jax.lax.broadcasted_iota(jnp.int32, (B, 864), 1)
    lane64 = jax.lax.broadcasted_iota(jnp.int32, (B, PAD), 1)

    s = cls_ref[...]
    rm = jnp.max(s, axis=2)

    def pick_row(k, carry):
        rm, rowacc = carry
        m = jnp.max(rm, axis=1, keepdims=True)
        rpos = jnp.min(jnp.where(rm == m, i864, 864), axis=1, keepdims=True)
        rm = jnp.where(i864 == rpos, NEG, rm)
        rowacc = jnp.where(lane64 == k, rpos, rowacc)
        return rm, rowacc

    _, rows = jax.lax.fori_loop(0, PAD, pick_row,
                                (rm, jnp.zeros((B, PAD), jnp.int32)))

    rsel = (rows[:, :, None]
            == jax.lax.broadcasted_iota(jnp.int32, (1, 1, 864), 2))
    cand = jax.lax.dot_general(rsel.astype(jnp.float32), s,
                               (((2,), (1,)), ((0,), (0,))),
                               preferred_element_type=jnp.float32, precision=jax.lax.Precision.HIGHEST)
    orig = (rows[:, :, None] * 128
            + jax.lax.broadcasted_iota(jnp.int32, (B, PAD, 128), 2))

    def extract(t, carry):
        cand, idxacc, logacc = carry
        m2 = jnp.max(cand, axis=2)
        m = jnp.max(m2, axis=1, keepdims=True)[:, :, None]
        pos2 = jnp.min(jnp.where(cand == m, orig, 1 << 30), axis=2)
        pos = jnp.min(pos2, axis=1, keepdims=True)
        cand = jnp.where(orig == pos[:, :, None], NEG, cand)
        idxacc = jnp.where(lane64 == t, pos, idxacc)
        logacc = jnp.where(lane64 == t, m[:, :, 0], logacc)
        return cand, idxacc, logacc

    _, idxacc, logacc = jax.lax.fori_loop(
        0, TOPK, extract,
        (cand, jnp.zeros((B, PAD), jnp.int32),
         jnp.full((B, PAD), NEG, jnp.float32)))
    idx_ref[...] = idxacc
    log_ref[...] = logacc


def _run_topk(scores):
    return pl.pallas_call(
        _topk_body,
        out_shape=(jax.ShapeDtypeStruct((B, PAD), jnp.int32),
                   jax.ShapeDtypeStruct((B, PAD), jnp.float32)),
    )(scores)


CHUNK = 192


def _run_sc_gather(off_idx, shp_idx, off_tab, shp_tab):
    mesh = plsc.VectorSubcoreMesh(core_axis_name="c", subcore_axis_name="s")

    @functools.partial(
        pl.kernel, mesh=mesh,
        out_type=jax.ShapeDtypeStruct((2 * 3072,), jnp.float32),
        scratch_types=[
            pltpu.VMEM((CHUNK,), jnp.int32),
            pltpu.VMEM((CHUNK,), jnp.float32),
            pltpu.SemaphoreType.DMA,
        ],
    )
    def k(oidx_hbm, sidx_hbm, otab_hbm, stab_hbm, out_hbm, idx_v, val_v, sem):
        wid = lax.axis_index("s") * 2 + lax.axis_index("c")

        @pl.when(wid < 16)
        def _():
            base = wid * CHUNK
            pltpu.sync_copy(oidx_hbm.at[pl.ds(base, CHUNK)], idx_v)
            pltpu.async_copy(otab_hbm.at[idx_v], val_v, sem).wait()
            pltpu.sync_copy(val_v, out_hbm.at[pl.ds(base, CHUNK)])

        @pl.when(wid >= 16)
        def _():
            base = (wid - 16) * CHUNK
            pltpu.sync_copy(sidx_hbm.at[pl.ds(base, CHUNK)], idx_v)
            pltpu.async_copy(stab_hbm.at[idx_v], val_v, sem).wait()
            pltpu.sync_copy(val_v, out_hbm.at[pl.ds(3072 + base, CHUNK)])

    return k(off_idx, shp_idx, off_tab, shp_tab)


def _nms_body(log_ref, idx_ref, g_ref, out_ref):
    logit = log_ref[...]
    flat = idx_ref[...]
    sig = 1.0 / (1.0 + jnp.exp(-logit))

    az = (flat // 2304).astype(jnp.float32)
    ay = ((flat // 48) % 48).astype(jnp.float32)
    ax = (flat % 48).astype(jnp.float32)
    cz = (az + g_ref[0]) * 2.0
    cy = (ay + g_ref[1]) * 2.0
    cx = (ax + g_ref[2]) * 2.0
    sz, sy, sx = g_ref[3], g_ref[4], g_ref[5]

    ctr = [cz, cy, cx]
    shp = [sz, sy, sx]
    bmin = [ctr[k] - shp[k] * 0.5 for k in range(3)]
    bmax = [ctr[k] + shp[k] * 0.5 for k in range(3)]
    vol = sz * sy * sx

    i64 = jax.lax.broadcasted_iota(jnp.int32, (B, PAD), 1)
    alive0 = (sig > THRESHOLD).astype(jnp.float32)
    keep0 = jnp.zeros((B, PAD), jnp.float32)

    def nms_step(_, carry):
        alive, keep = carry
        s = jnp.where(alive > 0.0, sig, NEG)
        ms = jnp.max(s, axis=1, keepdims=True)
        has = ms > NEG
        pos = jnp.min(jnp.where(s == ms, i64, PAD), axis=1, keepdims=True)
        ohf = (i64 == pos).astype(jnp.float32)
        inter = None
        voli = jnp.sum(vol * ohf, axis=1, keepdims=True)
        for k in range(3):
            bmini = jnp.sum(bmin[k] * ohf, axis=1, keepdims=True)
            bmaxi = jnp.sum(bmax[k] * ohf, axis=1, keepdims=True)
            e = jnp.maximum(jnp.minimum(bmaxi, bmax[k])
                            - jnp.maximum(bmini, bmin[k]), 0.0)
            inter = e if inter is None else inter * e
        iou = inter / (voli + vol - inter + 1e-8)
        survive = (iou <= NMS_THRESHOLD).astype(jnp.float32)
        keep = jnp.where(has, jnp.maximum(keep, ohf), keep)
        alive = jnp.where(has, alive * survive, alive)
        return alive, keep

    _, keepf = jax.lax.fori_loop(0, NMS_TOPK, nms_step, (alive0, keep0))

    tri = (jax.lax.broadcasted_iota(jnp.int32, (PAD, PAD), 0)
           <= jax.lax.broadcasted_iota(jnp.int32, (PAD, PAD), 1)).astype(jnp.float32)
    csum = jax.lax.dot_general(keepf, tri, (((1,), (0,)), ((), ())),
                               preferred_element_type=jnp.float32, precision=jax.lax.Precision.HIGHEST)
    dest = csum - 1.0
    dlane = jax.lax.broadcasted_iota(jnp.int32, (1, PAD, PAD), 2).astype(jnp.float32)
    perm = jnp.where((dest[:, :, None] == dlane) & (keepf[:, :, None] > 0.0),
                     1.0, 0.0)
    det = jnp.stack([jnp.ones((B, PAD), jnp.float32), sig,
                     cz, cy, cx, sz, sy, sx], axis=1)
    out = jax.lax.dot_general(det, perm, (((2,), (1,)), ((0,), (0,))),
                              preferred_element_type=jnp.float32, precision=jax.lax.Precision.HIGHEST)
    nkeep = jnp.sum(keepf, axis=1)[:, None, None]
    dst = jax.lax.broadcasted_iota(jnp.int32, (B, 8, PAD), 2).astype(jnp.float32)
    out_ref[...] = jnp.where(dst < nkeep, out, -1.0)


def _run_nms(logits, idxs, gath):
    return pl.pallas_call(
        _nms_body,
        out_shape=jax.ShapeDtypeStruct((B, 8, PAD), jnp.float32),
    )(logits, idxs, gath)


@jax.jit
def kernel(Cls, Shape, Offset):
    scores = Cls.reshape(B, 864, 128)
    idxs, logits = _run_topk(scores)
    comp = jnp.arange(3, dtype=jnp.int32)[:, None, None] * 110592
    bofs = jnp.arange(B, dtype=jnp.int32)[None, :, None] * (3 * 110592)
    gidx = (idxs[None, :, :] + comp + bofs).reshape(3 * B * PAD)
    g6 = _run_sc_gather(gidx, gidx, Offset.reshape(-1),
                        Shape.reshape(-1)).reshape(6, B, PAD)
    out = _run_nms(logits, idxs, g6)
    return jnp.transpose(out, (0, 2, 1))[:, :TOPK, :]

# --- scband reference (transcript-rebuilt; emitter-appended) ---
"""Pipeline reference for scband-detection-postprocess-49881750176163 (READ-ONLY COPY).

The authoritative reference and input builder live on the scoring server;
editing this copy changes nothing except your own understanding.
"""

import jax, jax.numpy as jnp
import numpy as np

TOPK = 60
THRESHOLD = 0.15
NMS_THRESHOLD = 0.05
NMS_TOPK = 20
CROP_SIZE = (96, 96, 96)


def make_anchors(d, h, w, crop_size, grid_cell_offset=0.0):
    sz = jnp.arange(d, dtype=jnp.float32) + grid_cell_offset
    sy = jnp.arange(h, dtype=jnp.float32) + grid_cell_offset
    sx = jnp.arange(w, dtype=jnp.float32) + grid_cell_offset
    az, ay, ax = jnp.meshgrid(sz, sy, sx, indexing='ij')
    anchor_points = jnp.stack([az, ay, ax], axis=-1).reshape(-1, 3)
    stride_tensor = jnp.full((d * h * w, 1), crop_size[0] / d, dtype=jnp.float32)
    return anchor_points, stride_tensor


def bbox_decode(anchor_points, pred_offsets, pred_shapes, stride_tensor):
    centers = (anchor_points[None, :, :] + pred_offsets) * stride_tensor[None, :, :]
    return jnp.concatenate([centers, pred_shapes], axis=-1)


def iou_3d(box, boxes):
    b1_min = box[:3] - box[3:] / 2.0
    b1_max = box[:3] + box[3:] / 2.0
    b2_min = boxes[:, :3] - boxes[:, 3:] / 2.0
    b2_max = boxes[:, :3] + boxes[:, 3:] / 2.0
    inter = jnp.prod(jnp.clip(jnp.minimum(b1_max[None, :], b2_max) - jnp.maximum(b1_min[None, :], b2_min), 0.0, None), axis=-1)
    vol1 = jnp.prod(box[3:])
    vol2 = jnp.prod(boxes[:, 3:], axis=-1)
    return inter / (vol1 + vol2 - inter + 1e-8)


def nms_3d_keepmask(scores, boxes, valid, overlap, top_k):
    n = scores.shape[0]
    alive = valid
    keep = jnp.zeros((n,), dtype=bool)
    for _ in range(top_k):
        s = jnp.where(alive, scores, -jnp.inf)
        i = jnp.argmax(s)
        has = s[i] > -jnp.inf
        keep = keep.at[i].set(jnp.where(has, True, keep[i]))
        suppress = iou_3d(boxes[i], boxes) > overlap
        alive = jnp.where(has, alive & (~suppress), alive)
    return keep


def pack_rows(det, keepmask):
    n = det.shape[0]
    idx = jnp.arange(n)
    order = jnp.argsort(jnp.where(keepmask, idx, n + idx))
    packed = det[order]
    nkeep = jnp.sum(keepmask.astype(jnp.int32))
    row_valid = idx < nkeep
    return jnp.where(row_valid[:, None], packed, -1.0)


def setup_inputs(seed: int = 0):
    key = jax.random.key(seed)
    k1, k2, k3 = jax.random.split(key, 3)
    Cls = jax.random.normal(k1, (16, 1, 48, 48, 48), dtype=jnp.float32)
    Shape = jax.random.uniform(k2, (16, 3, 48, 48, 48), dtype=jnp.float32) * 20.0 + 2.0
    Offset = jax.random.uniform(k3, (16, 3, 48, 48, 48), dtype=jnp.float32)
    return {"Cls": Cls, "Shape": Shape, "Offset": Offset}


def reference(Cls, Shape, Offset):
    b = Cls.shape[0]
    d, h, w = Cls.shape[2], Cls.shape[3], Cls.shape[4]
    anchor_points, stride_tensor = make_anchors(d, h, w, CROP_SIZE, 0.0)
    pred_scores = jnp.transpose(Cls.reshape(b, 1, -1), (0, 2, 1))
    pred_scores = jax.nn.sigmoid(pred_scores)
    pred_shapes = jnp.transpose(Shape.reshape(b, 3, -1), (0, 2, 1))
    pred_offsets = jnp.transpose(Offset.reshape(b, 3, -1), (0, 2, 1))
    pred_bboxes = bbox_decode(anchor_points, pred_offsets, pred_shapes, stride_tensor)
    scores = pred_scores[..., 0]
    topk_scores, topk_indices = jax.lax.top_k(scores, TOPK)
    dets = []
    for j in range(b):
        ts = topk_scores[j]
        bb = pred_bboxes[j][topk_indices[j]]
        valid = ts > THRESHOLD
        det = jnp.concatenate([jnp.ones((TOPK, 1), dtype=jnp.float32), ts[:, None], bb], axis=1)
        keep = nms_3d_keepmask(ts, bb, valid, NMS_THRESHOLD, NMS_TOPK)
        dets.append(pack_rows(det, keep))
    return jnp.stack(dets, axis=0)

if __name__ == "__main__":
    import jax
    _d = setup_inputs()
    print(jax.jit(kernel)(*tuple(_d.values())))

</pallas_src>

<mosaic_0001>
#map = affine_map<(d0, d1) -> (0)>
module attributes {stable_mosaic.version = 14 : i64} {
  func.func @k(%arg0: i32, %arg1: i32, %arg2: memref<3072xi32, #tpu.memory_space<hbm>>, %arg3: memref<3072xi32, #tpu.memory_space<hbm>>, %arg4: memref<5308416xf32, #tpu.memory_space<hbm>>, %arg5: memref<5308416xf32, #tpu.memory_space<hbm>>, %arg6: memref<6144xf32, #tpu.memory_space<hbm>>, %arg7: memref<192xi32, #tpu.memory_space<vmem>>, %arg8: memref<192xf32, #tpu.memory_space<vmem>>, %arg9: memref<!tpu.dma_semaphore, #tpu.memory_space<semaphore_mem>>) attributes {dimension_semantics = [#tpu.dimension_semantics<core_parallel>, #tpu.dimension_semantics<subcore_parallel>], iteration_bounds = array<i64: 2, 16>, scalar_prefetch = 0 : i64, scratch_operands = 3 : i64, tpu.core_type = #tpu.core_type<sc_vector_subcore>, window_params = [{transform_indices = #map}, {transform_indices = #map}, {transform_indices = #map}, {transform_indices = #map}, {transform_indices = #map}]} {
    %mul3A = arith.constant 2 : i32
    %mul3A_0 = arith.muli %arg1, %mul3A : i32
    %add3A = arith.addi %mul3A_0, %arg0 : i32
    %lt3A = arith.constant 16 : i32
    %lt3A_1 = arith.cmpi slt, %add3A, %lt3A : i32
    %convert_element_type3A = arith.extui %lt3A_1 : i1 to i32
    %cond3A = arith.constant 0 : i32
    %cond3A_2 = arith.cmpi ne, %convert_element_type3A, %cond3A : i32
    scf.if %cond3A_2 {
      %mul3A_7 = arith.constant 192 : i32
      %mul3A_8 = arith.muli %add3A, %mul3A_7 : i32
      "tpu.region"() ({
        %run_scoped3A = tpu.sem_alloc : memref<!tpu.dma_semaphore, #tpu.memory_space<semaphore_mem>>
        %dma_start3A_11 = tpu.memref_slice %arg2[%mul3A_8] : memref<3072xi32, #tpu.memory_space<hbm>> -> memref<192xi32, #tpu.memory_space<hbm>>
        %dma_start3A_12 = tpu.memref_slice %arg2[%mul3A_8] : memref<3072xi32, #tpu.memory_space<hbm>> -> memref<192xi32, #tpu.memory_space<hbm>>
        tpu.enqueue_dma source(%dma_start3A_12 : memref<192xi32, #tpu.memory_space<hbm>>) target(%arg7 : memref<192xi32, #tpu.memory_space<vmem>>) target_semaphore(%run_scoped3A : memref<!tpu.dma_semaphore, #tpu.memory_space<semaphore_mem>>)
        %dma_wait3A_13 = tpu.memref_slice %arg2[%mul3A_8] : memref<3072xi32, #tpu.memory_space<hbm>> -> memref<192xi32, #tpu.memory_space<hbm>>
        %dma_wait3A_14 = tpu.memref_slice %arg2[%mul3A_8] : memref<3072xi32, #tpu.memory_space<hbm>> -> memref<192xi32, #tpu.memory_space<hbm>>
        tpu.wait_dma2 semaphore(%run_scoped3A : memref<!tpu.dma_semaphore, #tpu.memory_space<semaphore_mem>>) src(%dma_wait3A_14 : memref<192xi32, #tpu.memory_space<hbm>>) dst(%arg7 : memref<192xi32, #tpu.memory_space<vmem>>)
        tpu.yield
      }) : () -> ()
      %dma_start3A = arith.constant 0 : i32
      %dma_start3A_9 = tpu.memref_slice %arg4[%dma_start3A] : memref<5308416xf32, #tpu.memory_space<hbm>> -> memref<5308416xf32, #tpu.memory_space<hbm>>
      tpu.enqueue_indirect_dma source(%dma_start3A_9 : memref<5308416xf32, #tpu.memory_space<hbm>>) target(%arg8 : memref<192xf32, #tpu.memory_space<vmem>>) offsets(%arg7 : memref<192xi32, #tpu.memory_space<vmem>>) semaphore(%arg9 : memref<!tpu.dma_semaphore, #tpu.memory_space<semaphore_mem>>)
      %dma_wait3A = arith.constant 0 : i32
      %dma_wait3A_10 = tpu.memref_slice %arg4[%dma_wait3A] : memref<5308416xf32, #tpu.memory_space<hbm>> -> memref<5308416xf32, #tpu.memory_space<hbm>>
      tpu.wait_indirect_dma semaphore(%arg9 : memref<!tpu.dma_semaphore, #tpu.memory_space<semaphore_mem>>) src(%dma_wait3A_10 : memref<5308416xf32, #tpu.memory_space<hbm>>) dst(%arg8 : memref<192xf32, #tpu.memory_space<vmem>>)
      "tpu.region"() ({
        %run_scoped3A = tpu.sem_alloc : memref<!tpu.dma_semaphore, #tpu.memory_space<semaphore_mem>>
        %dma_start3A_11 = tpu.memref_slice %arg6[%mul3A_8] : memref<6144xf32, #tpu.memory_space<hbm>> -> memref<192xf32, #tpu.memory_space<hbm>>
        %dma_start3A_12 = tpu.memref_slice %arg6[%mul3A_8] : memref<6144xf32, #tpu.memory_space<hbm>> -> memref<192xf32, #tpu.memory_space<hbm>>
        tpu.enqueue_dma source(%arg8 : memref<192xf32, #tpu.memory_space<vmem>>) target(%dma_start3A_12 : memref<192xf32, #tpu.memory_space<hbm>>) target_semaphore(%run_scoped3A : memref<!tpu.dma_semaphore, #tpu.memory_space<semaphore_mem>>)
        %dma_wait3A_13 = tpu.memref_slice %arg6[%mul3A_8] : memref<6144xf32, #tpu.memory_space<hbm>> -> memref<192xf32, #tpu.memory_space<hbm>>
        %dma_wait3A_14 = tpu.memref_slice %arg6[%mul3A_8] : memref<6144xf32, #tpu.memory_space<hbm>> -> memref<192xf32, #tpu.memory_space<hbm>>
        tpu.wait_dma2 semaphore(%run_scoped3A : memref<!tpu.dma_semaphore, #tpu.memory_space<semaphore_mem>>) src(%arg8 : memref<192xf32, #tpu.memory_space<vmem>>) dst(%dma_wait3A_14 : memref<192xf32, #tpu.memory_space<hbm>>)
        tpu.yield
      }) : () -> ()
    } else {
    }
    %ge3A = arith.constant 16 : i32
    %ge3A_3 = arith.cmpi sge, %add3A, %ge3A : i32
    %convert_element_type3A_4 = arith.extui %ge3A_3 : i1 to i32
    %cond3A_5 = arith.constant 0 : i32
    %cond3A_6 = arith.cmpi ne, %convert_element_type3A_4, %cond3A_5 : i32
    scf.if %cond3A_6 {
      %sub3A = arith.constant 16 : i32
      %sub3A_7 = arith.subi %add3A, %sub3A : i32
      %mul3A_8 = arith.constant 192 : i32
      %mul3A_9 = arith.muli %sub3A_7, %mul3A_8 : i32
      "tpu.region"() ({
        %run_scoped3A = tpu.sem_alloc : memref<!tpu.dma_semaphore, #tpu.memory_space<semaphore_mem>>
        %dma_start3A_14 = tpu.memref_slice %arg3[%mul3A_9] : memref<3072xi32, #tpu.memory_space<hbm>> -> memref<192xi32, #tpu.memory_space<hbm>>
        %dma_start3A_15 = tpu.memref_slice %arg3[%mul3A_9] : memref<3072xi32, #tpu.memory_space<hbm>> -> memref<192xi32, #tpu.memory_space<hbm>>
        tpu.enqueue_dma source(%dma_start3A_15 : memref<192xi32, #tpu.memory_space<hbm>>) target(%arg7 : memref<192xi32, #tpu.memory_space<vmem>>) target_semaphore(%run_scoped3A : memref<!tpu.dma_semaphore, #tpu.memory_space<semaphore_mem>>)
        %dma_wait3A_16 = tpu.memref_slice %arg3[%mul3A_9] : memref<3072xi32, #tpu.memory_space<hbm>> -> memref<192xi32, #tpu.memory_space<hbm>>
        %dma_wait3A_17 = tpu.memref_slice %arg3[%mul3A_9] : memref<3072xi32, #tpu.memory_space<hbm>> -> memref<192xi32, #tpu.memory_space<hbm>>
        tpu.wait_dma2 semaphore(%run_scoped3A : memref<!tpu.dma_semaphore, #tpu.memory_space<semaphore_mem>>) src(%dma_wait3A_17 : memref<192xi32, #tpu.memory_space<hbm>>) dst(%arg7 : memref<192xi32, #tpu.memory_space<vmem>>)
        tpu.yield
      }) : () -> ()
      %dma_start3A = arith.constant 0 : i32
      %dma_start3A_10 = tpu.memref_slice %arg5[%dma_start3A] : memref<5308416xf32, #tpu.memory_space<hbm>> -> memref<5308416xf32, #tpu.memory_space<hbm>>
      tpu.enqueue_indirect_dma source(%dma_start3A_10 : memref<5308416xf32, #tpu.memory_space<hbm>>) target(%arg8 : memref<192xf32, #tpu.memory_space<vmem>>) offsets(%arg7 : memref<192xi32, #tpu.memory_space<vmem>>) semaphore(%arg9 : memref<!tpu.dma_semaphore, #tpu.memory_space<semaphore_mem>>)
      %dma_wait3A = arith.constant 0 : i32
      %dma_wait3A_11 = tpu.memref_slice %arg5[%dma_wait3A] : memref<5308416xf32, #tpu.memory_space<hbm>> -> memref<5308416xf32, #tpu.memory_space<hbm>>
      tpu.wait_indirect_dma semaphore(%arg9 : memref<!tpu.dma_semaphore, #tpu.memory_space<semaphore_mem>>) src(%dma_wait3A_11 : memref<5308416xf32, #tpu.memory_space<hbm>>) dst(%arg8 : memref<192xf32, #tpu.memory_space<vmem>>)
      %add3A_12 = arith.constant 3072 : i32
      %add3A_13 = arith.addi %add3A_12, %mul3A_9 : i32
      "tpu.region"() ({
        %run_scoped3A = tpu.sem_alloc : memref<!tpu.dma_semaphore, #tpu.memory_space<semaphore_mem>>
        %dma_start3A_14 = tpu.memref_slice %arg6[%add3A_13] : memref<6144xf32, #tpu.memory_space<hbm>> -> memref<192xf32, #tpu.memory_space<hbm>>
        %dma_start3A_15 = tpu.memref_slice %arg6[%add3A_13] : memref<6144xf32, #tpu.memory_space<hbm>> -> memref<192xf32, #tpu.memory_space<hbm>>
        tpu.enqueue_dma source(%arg8 : memref<192xf32, #tpu.memory_space<vmem>>) target(%dma_start3A_15 : memref<192xf32, #tpu.memory_space<hbm>>) target_semaphore(%run_scoped3A : memref<!tpu.dma_semaphore, #tpu.memory_space<semaphore_mem>>)
        %dma_wait3A_16 = tpu.memref_slice %arg6[%add3A_13] : memref<6144xf32, #tpu.memory_space<hbm>> -> memref<192xf32, #tpu.memory_space<hbm>>
        %dma_wait3A_17 = tpu.memref_slice %arg6[%add3A_13] : memref<6144xf32, #tpu.memory_space<hbm>> -> memref<192xf32, #tpu.memory_space<hbm>>
        tpu.wait_dma2 semaphore(%run_scoped3A : memref<!tpu.dma_semaphore, #tpu.memory_space<semaphore_mem>>) src(%arg8 : memref<192xf32, #tpu.memory_space<vmem>>) dst(%dma_wait3A_17 : memref<192xf32, #tpu.memory_space<hbm>>)
        tpu.yield
      }) : () -> ()
    } else {
    }
    return
  }
}

module attributes {stable_mosaic.version = 14 : i64} {
  func.func @_topk_body(%arg0: memref<16x864x128xf32, #tpu.memory_space<vmem>>, %arg1: memref<16x64xi32, #tpu.memory_space<vmem>>, %arg2: memref<16x64xf32, #tpu.memory_space<vmem>>) attributes {dimension_semantics = [], scalar_prefetch = 0 : i64, scratch_operands = 0 : i64, tpu.core_type = #tpu.core_type<tc>} {
    %iota3A = tpu.iota {dimensions = array<i32: 1>} : vector<16x864xi32>
    %iota3A_0 = tpu.iota {dimensions = array<i32: 1>} : vector<16x64xi32>
    %get3A = arith.constant 0 : index
    %get3A_1 = arith.constant 0 : index
    %get3A_2 = arith.constant 0 : index
    %get3A_3 = vector.load %arg0[%get3A, %get3A_1, %get3A_2] : memref<16x864x128xf32, #tpu.memory_space<vmem>>, vector<16x864x128xf32>
    %reduce_max3A = arith.constant dense<0xFF800000> : vector<16x864xf32>
    %reduce_max3A_4 = vector.multi_reduction <maximumf>, %get3A_3, %reduce_max3A [2] : vector<16x864x128xf32> to vector<16x864xf32>
    %broadcast_in_dim3A = arith.constant 0 : i32
    %broadcast_in_dim3A_5 = vector.broadcast %broadcast_in_dim3A : i32 to vector<16x64xi32>
    %scan3A = arith.constant 0 : i32
    %scan3A_6 = arith.constant 64 : i32
    %scan3A_7 = arith.addi %scan3A, %scan3A_6 : i32
    %scan3A_8 = arith.constant 1 : i32
    %scan3A_9:2 = scf.for %scan3A_37 = %scan3A to %scan3A_7 step %scan3A_8 iter_args(%scan3A_38 = %reduce_max3A_4, %scan3A_39 = %broadcast_in_dim3A_5) -> (vector<16x864xf32>, vector<16x64xi32>)  : i32 {
      %reduce_max3A_40 = arith.constant dense<0xFF800000> : vector<16xf32>
      %reduce_max3A_41 = vector.multi_reduction <maximumf>, %scan3A_38, %reduce_max3A_40 [1] : vector<16x864xf32> to vector<16xf32>
      %broadcast_in_dim3A_42 = vector.shape_cast %reduce_max3A_41 : vector<16xf32> to vector<16x1xf32>
      %eq3A_43 = vector.broadcast %broadcast_in_dim3A_42 : vector<16x1xf32> to vector<16x864xf32>
      %eq3A_44 = arith.cmpf oeq, %scan3A_38, %eq3A_43 : vector<16x864xf32>
      %jit3A = arith.constant 864 : i32
      %broadcast_in_dim3A_45 = vector.broadcast %jit3A : i32 to vector<16x864xi32>
      %select_n3A = arith.select %eq3A_44, %iota3A, %broadcast_in_dim3A_45 : vector<16x864xi1>, vector<16x864xi32>
      %reduce_min3A = arith.constant dense<2147483647> : vector<16xi32>
      %reduce_min3A_46 = vector.multi_reduction <minsi>, %select_n3A, %reduce_min3A [1] : vector<16x864xi32> to vector<16xi32>
      %broadcast_in_dim3A_47 = vector.shape_cast %reduce_min3A_46 : vector<16xi32> to vector<16x1xi32>
      %eq3A_48 = vector.broadcast %broadcast_in_dim3A_47 : vector<16x1xi32> to vector<16x864xi32>
      %eq3A_49 = arith.cmpi eq, %iota3A, %eq3A_48 : vector<16x864xi32>
      %jit3A_50 = arith.constant 0xFF800000 : f32
      %broadcast_in_dim3A_51 = vector.broadcast %jit3A_50 : f32 to vector<16x864xf32>
      %select_n3A_52 = arith.select %eq3A_49, %broadcast_in_dim3A_51, %scan3A_38 : vector<16x864xi1>, vector<16x864xf32>
      %eq3A_53 = vector.broadcast %scan3A_37 : i32 to vector<16x64xi32>
      %eq3A_54 = arith.cmpi eq, %iota3A_0, %eq3A_53 : vector<16x64xi32>
      %broadcast_in_dim3A_55 = vector.shape_cast %broadcast_in_dim3A_47 : vector<16x1xi32> to vector<16x1xi32>
      %broadcast_in_dim3A_56 = vector.broadcast %broadcast_in_dim3A_55 : vector<16x1xi32> to vector<16x64xi32>
      %select_n3A_57 = arith.select %eq3A_54, %broadcast_in_dim3A_56, %scan3A_39 : vector<16x64xi1>, vector<16x64xi32>
      scf.yield %select_n3A_52, %select_n3A_57 : vector<16x864xf32>, vector<16x64xi32>
    }
    %scan3A_10 = arith.constant 64 : i32
    %broadcast_in_dim3A_11 = vector.shape_cast %scan3A_9#1 : vector<16x64xi32> to vector<16x64x1xi32>
    %iota3A_12 = tpu.iota {dimensions = array<i32: 2>} : vector<1x1x864xi32>
    %eq3A = vector.broadcast %broadcast_in_dim3A_11 : vector<16x64x1xi32> to vector<16x64x864xi32>
    %eq3A_13 = vector.broadcast %iota3A_12 : vector<1x1x864xi32> to vector<16x64x864xi32>
    %eq3A_14 = arith.cmpi eq, %eq3A, %eq3A_13 : vector<16x64x864xi32>
    %convert_element_type3A = arith.extui %eq3A_14 : vector<16x64x864xi1> to vector<16x64x864xi32>
    %convert_element_type3A_15 = arith.sitofp %convert_element_type3A : vector<16x64x864xi32> to vector<16x64x864xf32>
    %dot_general3A = arith.constant dense<0.000000e+00> : vector<16x64x128xf32>
    %dot_general3A_16 = tpu.matmul %convert_element_type3A_15, %get3A_3, %dot_general3A {dimension_numbers = #tpu.dot_dimension_numbers<[2], [1], [1], [2], [0, 0, 0, 1, 1, 2], [0], [0]>, precision = #tpu.contract_precision<fp32>, transpose_lhs_hint = false} : vector<16x64x864xf32>, vector<16x864x128xf32>, vector<16x64x128xf32> -> vector<16x64x128xf32>
    %broadcast_in_dim3A_17 = vector.shape_cast %scan3A_9#1 : vector<16x64xi32> to vector<16x64x1xi32>
    %mul3A = arith.constant 128 : i32
    %mul3A_18 = vector.broadcast %mul3A : i32 to vector<16x64x1xi32>
    %mul3A_19 = arith.muli %broadcast_in_dim3A_17, %mul3A_18 : vector<16x64x1xi32>
    %iota3A_20 = tpu.iota {dimensions = array<i32: 2>} : vector<16x64x128xi32>
    %add3A = vector.broadcast %mul3A_19 : vector<16x64x1xi32> to vector<16x64x128xi32>
    %add3A_21 = arith.addi %add3A, %iota3A_20 : vector<16x64x128xi32>
    %broadcast_in_dim3A_22 = arith.constant 0 : i32
    %broadcast_in_dim3A_23 = vector.broadcast %broadcast_in_dim3A_22 : i32 to vector<16x64xi32>
    %broadcast_in_dim3A_24 = arith.constant 0xFF800000 : f32
    %broadcast_in_dim3A_25 = vector.broadcast %broadcast_in_dim3A_24 : f32 to vector<16x64xf32>
    %scan3A_26 = arith.constant 0 : i32
    %scan3A_27 = arith.constant 60 : i32
    %scan3A_28 = arith.addi %scan3A_26, %scan3A_27 : i32
    %scan3A_29 = arith.constant 1 : i32
    %scan3A_30:3 = scf.for %scan3A_37 = %scan3A_26 to %scan3A_28 step %scan3A_29 iter_args(%scan3A_38 = %dot_general3A_16, %scan3A_39 = %broadcast_in_dim3A_23, %scan3A_40 = %broadcast_in_dim3A_25) -> (vector<16x64x128xf32>, vector<16x64xi32>, vector<16x64xf32>)  : i32 {
      %reduce_max3A_41 = arith.constant dense<0xFF800000> : vector<16x64xf32>
      %reduce_max3A_42 = vector.multi_reduction <maximumf>, %scan3A_38, %reduce_max3A_41 [2] : vector<16x64x128xf32> to vector<16x64xf32>
      %reduce_max3A_43 = arith.constant dense<0xFF800000> : vector<16xf32>
      %reduce_max3A_44 = vector.multi_reduction <maximumf>, %reduce_max3A_42, %reduce_max3A_43 [1] : vector<16x64xf32> to vector<16xf32>
      %broadcast_in_dim3A_45 = vector.shape_cast %reduce_max3A_44 : vector<16xf32> to vector<16x1xf32>
      %broadcast_in_dim3A_46 = vector.shape_cast %broadcast_in_dim3A_45 : vector<16x1xf32> to vector<16x1x1xf32>
      %eq3A_47 = vector.broadcast %broadcast_in_dim3A_46 : vector<16x1x1xf32> to vector<16x64x128xf32>
      %eq3A_48 = arith.cmpf oeq, %scan3A_38, %eq3A_47 : vector<16x64x128xf32>
      %jit3A = arith.constant 1073741824 : i32
      %broadcast_in_dim3A_49 = vector.broadcast %jit3A : i32 to vector<16x64x128xi32>
      %select_n3A = arith.select %eq3A_48, %add3A_21, %broadcast_in_dim3A_49 : vector<16x64x128xi1>, vector<16x64x128xi32>
      %reduce_min3A = arith.constant dense<2147483647> : vector<16x64xi32>
      %reduce_min3A_50 = vector.multi_reduction <minsi>, %select_n3A, %reduce_min3A [2] : vector<16x64x128xi32> to vector<16x64xi32>
      %reduce_min3A_51 = arith.constant dense<2147483647> : vector<16xi32>
      %reduce_min3A_52 = vector.multi_reduction <minsi>, %reduce_min3A_50, %reduce_min3A_51 [1] : vector<16x64xi32> to vector<16xi32>
      %broadcast_in_dim3A_53 = vector.shape_cast %reduce_min3A_52 : vector<16xi32> to vector<16x1xi32>
      %broadcast_in_dim3A_54 = vector.shape_cast %broadcast_in_dim3A_53 : vector<16x1xi32> to vector<16x1x1xi32>
      %eq3A_55 = vector.broadcast %broadcast_in_dim3A_54 : vector<16x1x1xi32> to vector<16x64x128xi32>
      %eq3A_56 = arith.cmpi eq, %add3A_21, %eq3A_55 : vector<16x64x128xi32>
      %jit3A_57 = arith.constant 0xFF800000 : f32
      %broadcast_in_dim3A_58 = vector.broadcast %jit3A_57 : f32 to vector<16x64x128xf32>
      %select_n3A_59 = arith.select %eq3A_56, %broadcast_in_dim3A_58, %scan3A_38 : vector<16x64x128xi1>, vector<16x64x128xf32>
      %eq3A_60 = vector.broadcast %scan3A_37 : i32 to vector<16x64xi32>
      %eq3A_61 = arith.cmpi eq, %iota3A_0, %eq3A_60 : vector<16x64xi32>
      %broadcast_in_dim3A_62 = vector.shape_cast %broadcast_in_dim3A_53 : vector<16x1xi32> to vector<16x1xi32>
      %broadcast_in_dim3A_63 = vector.broadcast %broadcast_in_dim3A_62 : vector<16x1xi32> to vector<16x64xi32>
      %select_n3A_64 = arith.select %eq3A_61, %broadcast_in_dim3A_63, %scan3A_39 : vector<16x64xi1>, vector<16x64xi32>
      %eq3A_65 = vector.broadcast %scan3A_37 : i32 to vector<16x64xi32>
      %eq3A_66 = arith.cmpi eq, %iota3A_0, %eq3A_65 : vector<16x64xi32>
      %squeeze3A = vector.shape_cast %broadcast_in_dim3A_46 : vector<16x1x1xf32> to vector<16x1xf32>
      %broadcast_in_dim3A_67 = vector.shape_cast %squeeze3A : vector<16x1xf32> to vector<16x1xf32>
      %broadcast_in_dim3A_68 = vector.broadcast %broadcast_in_dim3A_67 : vector<16x1xf32> to vector<16x64xf32>
      %select_n3A_69 = arith.select %eq3A_66, %broadcast_in_dim3A_68, %scan3A_40 : vector<16x64xi1>, vector<16x64xf32>
      scf.yield %select_n3A_59, %select_n3A_64, %select_n3A_69 : vector<16x64x128xf32>, vector<16x64xi32>, vector<16x64xf32>
    }
    %scan3A_31 = arith.constant 60 : i32
    %swap3A = arith.constant 0 : index
    %swap3A_32 = arith.constant 0 : index
    %swap3A_33 = vector.load %arg1[%swap3A, %swap3A_32] : memref<16x64xi32, #tpu.memory_space<vmem>>, vector<16x64xi32>
    tpu.vector_store %arg1[%swap3A, %swap3A_32], %scan3A_30#1 {strides = array<i32>} : memref<16x64xi32, #tpu.memory_space<vmem>>, vector<16x64xi32>,
    %swap3A_34 = arith.constant 0 : index
    %swap3A_35 = arith.constant 0 : index
    %swap3A_36 = vector.load %arg2[%swap3A_34, %swap3A_35] : memref<16x64xf32, #tpu.memory_space<vmem>>, vector<16x64xf32>
    tpu.vector_store %arg2[%swap3A_34, %swap3A_35], %scan3A_30#2 {strides = array<i32>} : memref<16x64xf32, #tpu.memory_space<vmem>>, vector<16x64xf32>,
    return
  }
}

module attributes {stable_mosaic.version = 14 : i64} {
  func.func @_nms_body(%arg0: memref<16x64xf32, #tpu.memory_space<vmem>>, %arg1: memref<16x64xi32, #tpu.memory_space<vmem>>, %arg2: memref<6x16x64xf32, #tpu.memory_space<vmem>>, %arg3: memref<16x8x64xf32, #tpu.memory_space<vmem>>) attributes {dimension_semantics = [], scalar_prefetch = 0 : i64, scratch_operands = 0 : i64, tpu.core_type = #tpu.core_type<tc>} {
    %get3A = arith.constant 0 : index
    %get3A_0 = arith.constant 0 : index
    %get3A_1 = vector.load %arg0[%get3A, %get3A_0] : memref<16x64xf32, #tpu.memory_space<vmem>>, vector<16x64xf32>
    %get3A_2 = arith.constant 0 : index
    %get3A_3 = arith.constant 0 : index
    %get3A_4 = vector.load %arg1[%get3A_2, %get3A_3] : memref<16x64xi32, #tpu.memory_space<vmem>>, vector<16x64xi32>
    %neg3A = arith.constant 0.000000e+00 : f32
    %neg3A_5 = vector.broadcast %neg3A : f32 to vector<16x64xf32>
    %neg3A_6 = arith.subf %neg3A_5, %get3A_1 : vector<16x64xf32>
    %exp3A = math.exp %neg3A_6 : vector<16x64xf32>
    %add3A = arith.constant 1.000000e+00 : f32
    %add3A_7 = vector.broadcast %add3A : f32 to vector<16x64xf32>
    %add3A_8 = arith.addf %add3A_7, %exp3A : vector<16x64xf32>
    %div3A = arith.constant 1.000000e+00 : f32
    %div3A_9 = vector.broadcast %div3A : f32 to vector<16x64xf32>
    %div3A_10 = arith.divf %div3A_9, %add3A_8 : vector<16x64xf32>
    %jit3A = arith.constant 2304 : i32
    %div3A_11 = vector.broadcast %jit3A : i32 to vector<16x64xi32>
    %div3A_12 = arith.divsi %get3A_4, %div3A_11 : vector<16x64xi32>
    %sign3A = arith.constant 0 : i32
    %sign3A_13 = vector.broadcast %sign3A : i32 to vector<16x64xi32>
    %sign3A_14 = arith.cmpi sgt, %get3A_4, %sign3A_13 : vector<16x64xi32>
    %sign3A_15 = arith.extui %sign3A_14 : vector<16x64xi1> to vector<16x64xi32>
    %sign3A_16 = arith.constant 0 : i32
    %sign3A_17 = vector.broadcast %sign3A_16 : i32 to vector<16x64xi32>
    %sign3A_18 = arith.cmpi slt, %get3A_4, %sign3A_17 : vector<16x64xi32>
    %sign3A_19 = arith.extui %sign3A_18 : vector<16x64xi1> to vector<16x64xi32>
    %sign3A_20 = arith.subi %sign3A_15, %sign3A_19 : vector<16x64xi32>
    %sign3A_21 = arith.constant 0 : i32
    %sign3A_22 = arith.cmpi sgt, %jit3A, %sign3A_21 : i32
    %sign3A_23 = arith.extui %sign3A_22 : i1 to i32
    %sign3A_24 = arith.constant 0 : i32
    %sign3A_25 = arith.cmpi slt, %jit3A, %sign3A_24 : i32
    %sign3A_26 = arith.extui %sign3A_25 : i1 to i32
    %sign3A_27 = arith.subi %sign3A_23, %sign3A_26 : i32
    %ne3A = vector.broadcast %sign3A_27 : i32 to vector<16x64xi32>
    %ne3A_28 = arith.cmpi ne, %sign3A_20, %ne3A : vector<16x64xi32>
    %rem3A = vector.broadcast %jit3A : i32 to vector<16x64xi32>
    %rem3A_29 = arith.remsi %get3A_4, %rem3A : vector<16x64xi32>
    %ne3A_30 = arith.constant 0 : i32
    %ne3A_31 = vector.broadcast %ne3A_30 : i32 to vector<16x64xi32>
    %ne3A_32 = arith.cmpi ne, %rem3A_29, %ne3A_31 : vector<16x64xi32>
    %and3A = arith.andi %ne3A_28, %ne3A_32 : vector<16x64xi1>
    %sub3A = arith.constant 1 : i32
    %sub3A_33 = vector.broadcast %sub3A : i32 to vector<16x64xi32>
    %sub3A_34 = arith.subi %div3A_12, %sub3A_33 : vector<16x64xi32>
    %select_n3A = arith.select %and3A, %sub3A_34, %div3A_12 : vector<16x64xi1>, vector<16x64xi32>
    %convert_element_type3A = arith.sitofp %select_n3A : vector<16x64xi32> to vector<16x64xf32>
    %jit3A_35 = arith.constant 48 : i32
    %div3A_36 = vector.broadcast %jit3A_35 : i32 to vector<16x64xi32>
    %div3A_37 = arith.divsi %get3A_4, %div3A_36 : vector<16x64xi32>
    %sign3A_38 = arith.constant 0 : i32
    %sign3A_39 = vector.broadcast %sign3A_38 : i32 to vector<16x64xi32>
    %sign3A_40 = arith.cmpi sgt, %get3A_4, %sign3A_39 : vector<16x64xi32>
    %sign3A_41 = arith.extui %sign3A_40 : vector<16x64xi1> to vector<16x64xi32>
    %sign3A_42 = arith.constant 0 : i32
    %sign3A_43 = vector.broadcast %sign3A_42 : i32 to vector<16x64xi32>
    %sign3A_44 = arith.cmpi slt, %get3A_4, %sign3A_43 : vector<16x64xi32>
    %sign3A_45 = arith.extui %sign3A_44 : vector<16x64xi1> to vector<16x64xi32>
    %sign3A_46 = arith.subi %sign3A_41, %sign3A_45 : vector<16x64xi32>
    %sign3A_47 = arith.constant 0 : i32
    %sign3A_48 = arith.cmpi sgt, %jit3A_35, %sign3A_47 : i32
    %sign3A_49 = arith.extui %sign3A_48 : i1 to i32
    %sign3A_50 = arith.constant 0 : i32
    %sign3A_51 = arith.cmpi slt, %jit3A_35, %sign3A_50 : i32
    %sign3A_52 = arith.extui %sign3A_51 : i1 to i32
    %sign3A_53 = arith.subi %sign3A_49, %sign3A_52 : i32
    %ne3A_54 = vector.broadcast %sign3A_53 : i32 to vector<16x64xi32>
    %ne3A_55 = arith.cmpi ne, %sign3A_46, %ne3A_54 : vector<16x64xi32>
    %rem3A_56 = vector.broadcast %jit3A_35 : i32 to vector<16x64xi32>
    %rem3A_57 = arith.remsi %get3A_4, %rem3A_56 : vector<16x64xi32>
    %ne3A_58 = arith.constant 0 : i32
    %ne3A_59 = vector.broadcast %ne3A_58 : i32 to vector<16x64xi32>
    %ne3A_60 = arith.cmpi ne, %rem3A_57, %ne3A_59 : vector<16x64xi32>
    %and3A_61 = arith.andi %ne3A_55, %ne3A_60 : vector<16x64xi1>
    %sub3A_62 = arith.constant 1 : i32
    %sub3A_63 = vector.broadcast %sub3A_62 : i32 to vector<16x64xi32>
    %sub3A_64 = arith.subi %div3A_37, %sub3A_63 : vector<16x64xi32>
    %select_n3A_65 = arith.select %and3A_61, %sub3A_64, %div3A_37 : vector<16x64xi1>, vector<16x64xi32>
    %jit3A_66 = arith.constant 48 : i32
    %eq3A = arith.constant 0 : i32
    %eq3A_67 = arith.cmpi eq, %jit3A_66, %eq3A : i32
    %jit3A_68 = arith.constant 1 : i32
    %select_n3A_69 = arith.select %eq3A_67, %jit3A_68, %jit3A_66 : i32
    %rem3A_70 = vector.broadcast %select_n3A_69 : i32 to vector<16x64xi32>
    %rem3A_71 = arith.remsi %select_n3A_65, %rem3A_70 : vector<16x64xi32>
    %ne3A_72 = arith.constant 0 : i32
    %ne3A_73 = vector.broadcast %ne3A_72 : i32 to vector<16x64xi32>
    %ne3A_74 = arith.cmpi ne, %rem3A_71, %ne3A_73 : vector<16x64xi32>
    %lt3A = arith.constant 0 : i32
    %lt3A_75 = vector.broadcast %lt3A : i32 to vector<16x64xi32>
    %lt3A_76 = arith.cmpi slt, %rem3A_71, %lt3A_75 : vector<16x64xi32>
    %lt3A_77 = arith.constant 0 : i32
    %lt3A_78 = arith.cmpi slt, %select_n3A_69, %lt3A_77 : i32
    %ne3A_79 = vector.broadcast %lt3A_78 : i1 to vector<16x64xi1>
    %ne3A_80 = vector.broadcast %ne3A_79 : vector<16x64xi1> to vector<16x64xi1>
    %ne3A_81 = arith.xori %lt3A_76, %ne3A_80 : vector<16x64xi1>
    %and3A_82 = arith.andi %ne3A_81, %ne3A_74 : vector<16x64xi1>
    %add3A_83 = vector.broadcast %select_n3A_69 : i32 to vector<16x64xi32>
    %add3A_84 = arith.addi %rem3A_71, %add3A_83 : vector<16x64xi32>
    %select_n3A_85 = arith.select %and3A_82, %add3A_84, %rem3A_71 : vector<16x64xi1>, vector<16x64xi32>
    %convert_element_type3A_86 = arith.sitofp %select_n3A_85 : vector<16x64xi32> to vector<16x64xf32>
    %jit3A_87 = arith.constant 48 : i32
    %eq3A_88 = arith.constant 0 : i32
    %eq3A_89 = arith.cmpi eq, %jit3A_87, %eq3A_88 : i32
    %jit3A_90 = arith.constant 1 : i32
    %select_n3A_91 = arith.select %eq3A_89, %jit3A_90, %jit3A_87 : i32
    %rem3A_92 = vector.broadcast %select_n3A_91 : i32 to vector<16x64xi32>
    %rem3A_93 = arith.remsi %get3A_4, %rem3A_92 : vector<16x64xi32>
    %ne3A_94 = arith.constant 0 : i32
    %ne3A_95 = vector.broadcast %ne3A_94 : i32 to vector<16x64xi32>
    %ne3A_96 = arith.cmpi ne, %rem3A_93, %ne3A_95 : vector<16x64xi32>
    %lt3A_97 = arith.constant 0 : i32
    %lt3A_98 = vector.broadcast %lt3A_97 : i32 to vector<16x64xi32>
    %lt3A_99 = arith.cmpi slt, %rem3A_93, %lt3A_98 : vector<16x64xi32>
    %lt3A_100 = arith.constant 0 : i32
    %lt3A_101 = arith.cmpi slt, %select_n3A_91, %lt3A_100 : i32
    %ne3A_102 = vector.broadcast %lt3A_101 : i1 to vector<16x64xi1>
    %ne3A_103 = vector.broadcast %ne3A_102 : vector<16x64xi1> to vector<16x64xi1>
    %ne3A_104 = arith.xori %lt3A_99, %ne3A_103 : vector<16x64xi1>
    %and3A_105 = arith.andi %ne3A_104, %ne3A_96 : vector<16x64xi1>
    %add3A_106 = vector.broadcast %select_n3A_91 : i32 to vector<16x64xi32>
    %add3A_107 = arith.addi %rem3A_93, %add3A_106 : vector<16x64xi32>
    %select_n3A_108 = arith.select %and3A_105, %add3A_107, %rem3A_93 : vector<16x64xi1>, vector<16x64xi32>
    %convert_element_type3A_109 = arith.sitofp %select_n3A_108 : vector<16x64xi32> to vector<16x64xf32>
    %get3A_110 = arith.constant 0 : index
    %get3A_111 = arith.constant 0 : index
    %get3A_112 = arith.constant 0 : index
    %get3A_113 = vector.load %arg2[%get3A_110, %get3A_111, %get3A_112] : memref<6x16x64xf32, #tpu.memory_space<vmem>>, vector<1x16x64xf32>
    %get3A_114 = vector.shape_cast %get3A_113 : vector<1x16x64xf32> to vector<16x64xf32>
    %add3A_115 = arith.addf %convert_element_type3A, %get3A_114 : vector<16x64xf32>
    %mul3A = arith.constant 2.000000e+00 : f32
    %mul3A_116 = vector.broadcast %mul3A : f32 to vector<16x64xf32>
    %mul3A_117 = arith.mulf %add3A_115, %mul3A_116 : vector<16x64xf32>
    %get3A_118 = arith.constant 1 : index
    %get3A_119 = arith.constant 0 : index
    %get3A_120 = arith.constant 0 : index
    %get3A_121 = vector.load %arg2[%get3A_118, %get3A_119, %get3A_120] : memref<6x16x64xf32, #tpu.memory_space<vmem>>, vector<1x16x64xf32>
    %get3A_122 = vector.shape_cast %get3A_121 : vector<1x16x64xf32> to vector<16x64xf32>
    %add3A_123 = arith.addf %convert_element_type3A_86, %get3A_122 : vector<16x64xf32>
    %mul3A_124 = arith.constant 2.000000e+00 : f32
    %mul3A_125 = vector.broadcast %mul3A_124 : f32 to vector<16x64xf32>
    %mul3A_126 = arith.mulf %add3A_123, %mul3A_125 : vector<16x64xf32>
    %get3A_127 = arith.constant 2 : index
    %get3A_128 = arith.constant 0 : index
    %get3A_129 = arith.constant 0 : index
    %get3A_130 = vector.load %arg2[%get3A_127, %get3A_128, %get3A_129] : memref<6x16x64xf32, #tpu.memory_space<vmem>>, vector<1x16x64xf32>
    %get3A_131 = vector.shape_cast %get3A_130 : vector<1x16x64xf32> to vector<16x64xf32>
    %add3A_132 = arith.addf %convert_element_type3A_109, %get3A_131 : vector<16x64xf32>
    %mul3A_133 = arith.constant 2.000000e+00 : f32
    %mul3A_134 = vector.broadcast %mul3A_133 : f32 to vector<16x64xf32>
    %mul3A_135 = arith.mulf %add3A_132, %mul3A_134 : vector<16x64xf32>
    %get3A_136 = arith.constant 3 : index
    %get3A_137 = arith.constant 0 : index
    %get3A_138 = arith.constant 0 : index
    %get3A_139 = vector.load %arg2[%get3A_136, %get3A_137, %get3A_138] : memref<6x16x64xf32, #tpu.memory_space<vmem>>, vector<1x16x64xf32>
    %get3A_140 = vector.shape_cast %get3A_139 : vector<1x16x64xf32> to vector<16x64xf32>
    %get3A_141 = arith.constant 4 : index
    %get3A_142 = arith.constant 0 : index
    %get3A_143 = arith.constant 0 : index
    %get3A_144 = vector.load %arg2[%get3A_141, %get3A_142, %get3A_143] : memref<6x16x64xf32, #tpu.memory_space<vmem>>, vector<1x16x64xf32>
    %get3A_145 = vector.shape_cast %get3A_144 : vector<1x16x64xf32> to vector<16x64xf32>
    %get3A_146 = arith.constant 5 : index
    %get3A_147 = arith.constant 0 : index
    %get3A_148 = arith.constant 0 : index
    %get3A_149 = vector.load %arg2[%get3A_146, %get3A_147, %get3A_148] : memref<6x16x64xf32, #tpu.memory_space<vmem>>, vector<1x16x64xf32>
    %get3A_150 = vector.shape_cast %get3A_149 : vector<1x16x64xf32> to vector<16x64xf32>
    %mul3A_151 = arith.constant 5.000000e-01 : f32
    %mul3A_152 = vector.broadcast %mul3A_151 : f32 to vector<16x64xf32>
    %mul3A_153 = arith.mulf %get3A_140, %mul3A_152 : vector<16x64xf32>
    %sub3A_154 = arith.subf %mul3A_117, %mul3A_153 : vector<16x64xf32>
    %mul3A_155 = arith.constant 5.000000e-01 : f32
    %mul3A_156 = vector.broadcast %mul3A_155 : f32 to vector<16x64xf32>
    %mul3A_157 = arith.mulf %get3A_145, %mul3A_156 : vector<16x64xf32>
    %sub3A_158 = arith.subf %mul3A_126, %mul3A_157 : vector<16x64xf32>
    %mul3A_159 = arith.constant 5.000000e-01 : f32
    %mul3A_160 = vector.broadcast %mul3A_159 : f32 to vector<16x64xf32>
    %mul3A_161 = arith.mulf %get3A_150, %mul3A_160 : vector<16x64xf32>
    %sub3A_162 = arith.subf %mul3A_135, %mul3A_161 : vector<16x64xf32>
    %mul3A_163 = arith.constant 5.000000e-01 : f32
    %mul3A_164 = vector.broadcast %mul3A_163 : f32 to vector<16x64xf32>
    %mul3A_165 = arith.mulf %get3A_140, %mul3A_164 : vector<16x64xf32>
    %add3A_166 = arith.addf %mul3A_117, %mul3A_165 : vector<16x64xf32>
    %mul3A_167 = arith.constant 5.000000e-01 : f32
    %mul3A_168 = vector.broadcast %mul3A_167 : f32 to vector<16x64xf32>
    %mul3A_169 = arith.mulf %get3A_145, %mul3A_168 : vector<16x64xf32>
    %add3A_170 = arith.addf %mul3A_126, %mul3A_169 : vector<16x64xf32>
    %mul3A_171 = arith.constant 5.000000e-01 : f32
    %mul3A_172 = vector.broadcast %mul3A_171 : f32 to vector<16x64xf32>
    %mul3A_173 = arith.mulf %get3A_150, %mul3A_172 : vector<16x64xf32>
    %add3A_174 = arith.addf %mul3A_135, %mul3A_173 : vector<16x64xf32>
    %mul3A_175 = arith.mulf %get3A_140, %get3A_145 : vector<16x64xf32>
    %mul3A_176 = arith.mulf %mul3A_175, %get3A_150 : vector<16x64xf32>
    %iota3A = tpu.iota {dimensions = array<i32: 1>} : vector<16x64xi32>
    %gt3A = arith.constant 1.500000e-01 : f32
    %gt3A_177 = vector.broadcast %gt3A : f32 to vector<16x64xf32>
    %gt3A_178 = arith.cmpf ogt, %div3A_10, %gt3A_177 : vector<16x64xf32>
    %convert_element_type3A_179 = arith.extui %gt3A_178 : vector<16x64xi1> to vector<16x64xi32>
    %convert_element_type3A_180 = arith.sitofp %convert_element_type3A_179 : vector<16x64xi32> to vector<16x64xf32>
    %broadcast_in_dim3A = arith.constant 0.000000e+00 : f32
    %broadcast_in_dim3A_181 = vector.broadcast %broadcast_in_dim3A : f32 to vector<16x64xf32>
    %scan3A = arith.constant 0 : i32
    %scan3A_182 = arith.constant 20 : i32
    %scan3A_183 = arith.addi %scan3A, %scan3A_182 : i32
    %scan3A_184 = arith.constant 1 : i32
    %scan3A_185:2 = scf.for %scan3A_235 = %scan3A to %scan3A_183 step %scan3A_184 iter_args(%scan3A_236 = %convert_element_type3A_180, %scan3A_237 = %broadcast_in_dim3A_181) -> (vector<16x64xf32>, vector<16x64xf32>)  : i32 {
      %gt3A_238 = arith.constant 0.000000e+00 : f32
      %gt3A_239 = vector.broadcast %gt3A_238 : f32 to vector<16x64xf32>
      %gt3A_240 = arith.cmpf ogt, %scan3A_236, %gt3A_239 : vector<16x64xf32>
      %jit3A_241 = arith.constant 0xFF800000 : f32
      %broadcast_in_dim3A_242 = vector.broadcast %jit3A_241 : f32 to vector<16x64xf32>
      %select_n3A_243 = arith.select %gt3A_240, %div3A_10, %broadcast_in_dim3A_242 : vector<16x64xi1>, vector<16x64xf32>
      %reduce_max3A = arith.constant dense<0xFF800000> : vector<16xf32>
      %reduce_max3A_244 = vector.multi_reduction <maximumf>, %select_n3A_243, %reduce_max3A [1] : vector<16x64xf32> to vector<16xf32>
      %broadcast_in_dim3A_245 = vector.shape_cast %reduce_max3A_244 : vector<16xf32> to vector<16x1xf32>
      %gt3A_246 = arith.constant 0xFF800000 : f32
      %gt3A_247 = vector.broadcast %gt3A_246 : f32 to vector<16x1xf32>
      %gt3A_248 = arith.cmpf ogt, %broadcast_in_dim3A_245, %gt3A_247 : vector<16x1xf32>
      %eq3A_249 = vector.broadcast %broadcast_in_dim3A_245 : vector<16x1xf32> to vector<16x64xf32>
      %eq3A_250 = arith.cmpf oeq, %select_n3A_243, %eq3A_249 : vector<16x64xf32>
      %jit3A_251 = arith.constant 64 : i32
      %broadcast_in_dim3A_252 = vector.broadcast %jit3A_251 : i32 to vector<16x64xi32>
      %select_n3A_253 = arith.select %eq3A_250, %iota3A, %broadcast_in_dim3A_252 : vector<16x64xi1>, vector<16x64xi32>
      %reduce_min3A = arith.constant dense<2147483647> : vector<16xi32>
      %reduce_min3A_254 = vector.multi_reduction <minsi>, %select_n3A_253, %reduce_min3A [1] : vector<16x64xi32> to vector<16xi32>
      %broadcast_in_dim3A_255 = vector.shape_cast %reduce_min3A_254 : vector<16xi32> to vector<16x1xi32>
      %eq3A_256 = vector.broadcast %broadcast_in_dim3A_255 : vector<16x1xi32> to vector<16x64xi32>
      %eq3A_257 = arith.cmpi eq, %iota3A, %eq3A_256 : vector<16x64xi32>
      %convert_element_type3A_258 = arith.extui %eq3A_257 : vector<16x64xi1> to vector<16x64xi32>
      %convert_element_type3A_259 = arith.sitofp %convert_element_type3A_258 : vector<16x64xi32> to vector<16x64xf32>
      %mul3A_260 = arith.mulf %mul3A_176, %convert_element_type3A_259 : vector<16x64xf32>
      %reduce_sum3A_261 = arith.constant dense<0.000000e+00> : vector<16xf32>
      %reduce_sum3A_262 = vector.multi_reduction <add>, %mul3A_260, %reduce_sum3A_261 [1] : vector<16x64xf32> to vector<16xf32>
      %broadcast_in_dim3A_263 = vector.shape_cast %reduce_sum3A_262 : vector<16xf32> to vector<16x1xf32>
      %mul3A_264 = arith.mulf %sub3A_154, %convert_element_type3A_259 : vector<16x64xf32>
      %reduce_sum3A_265 = arith.constant dense<0.000000e+00> : vector<16xf32>
      %reduce_sum3A_266 = vector.multi_reduction <add>, %mul3A_264, %reduce_sum3A_265 [1] : vector<16x64xf32> to vector<16xf32>
      %broadcast_in_dim3A_267 = vector.shape_cast %reduce_sum3A_266 : vector<16xf32> to vector<16x1xf32>
      %mul3A_268 = arith.mulf %add3A_166, %convert_element_type3A_259 : vector<16x64xf32>
      %reduce_sum3A_269 = arith.constant dense<0.000000e+00> : vector<16xf32>
      %reduce_sum3A_270 = vector.multi_reduction <add>, %mul3A_268, %reduce_sum3A_269 [1] : vector<16x64xf32> to vector<16xf32>
      %broadcast_in_dim3A_271 = vector.shape_cast %reduce_sum3A_270 : vector<16xf32> to vector<16x1xf32>
      %min3A = vector.broadcast %broadcast_in_dim3A_271 : vector<16x1xf32> to vector<16x64xf32>
      %min3A_272 = arith.minimumf %min3A, %add3A_166 : vector<16x64xf32>
      %max3A = vector.broadcast %broadcast_in_dim3A_267 : vector<16x1xf32> to vector<16x64xf32>
      %max3A_273 = arith.maximumf %max3A, %sub3A_154 : vector<16x64xf32>
      %sub3A_274 = arith.subf %min3A_272, %max3A_273 : vector<16x64xf32>
      %max3A_275 = arith.constant 0.000000e+00 : f32
      %max3A_276 = vector.broadcast %max3A_275 : f32 to vector<16x64xf32>
      %max3A_277 = arith.maximumf %sub3A_274, %max3A_276 : vector<16x64xf32>
      %mul3A_278 = arith.mulf %sub3A_158, %convert_element_type3A_259 : vector<16x64xf32>
      %reduce_sum3A_279 = arith.constant dense<0.000000e+00> : vector<16xf32>
      %reduce_sum3A_280 = vector.multi_reduction <add>, %mul3A_278, %reduce_sum3A_279 [1] : vector<16x64xf32> to vector<16xf32>
      %broadcast_in_dim3A_281 = vector.shape_cast %reduce_sum3A_280 : vector<16xf32> to vector<16x1xf32>
      %mul3A_282 = arith.mulf %add3A_170, %convert_element_type3A_259 : vector<16x64xf32>
      %reduce_sum3A_283 = arith.constant dense<0.000000e+00> : vector<16xf32>
      %reduce_sum3A_284 = vector.multi_reduction <add>, %mul3A_282, %reduce_sum3A_283 [1] : vector<16x64xf32> to vector<16xf32>
      %broadcast_in_dim3A_285 = vector.shape_cast %reduce_sum3A_284 : vector<16xf32> to vector<16x1xf32>
      %min3A_286 = vector.broadcast %broadcast_in_dim3A_285 : vector<16x1xf32> to vector<16x64xf32>
      %min3A_287 = arith.minimumf %min3A_286, %add3A_170 : vector<16x64xf32>
      %max3A_288 = vector.broadcast %broadcast_in_dim3A_281 : vector<16x1xf32> to vector<16x64xf32>
      %max3A_289 = arith.maximumf %max3A_288, %sub3A_158 : vector<16x64xf32>
      %sub3A_290 = arith.subf %min3A_287, %max3A_289 : vector<16x64xf32>
      %max3A_291 = arith.constant 0.000000e+00 : f32
      %max3A_292 = vector.broadcast %max3A_291 : f32 to vector<16x64xf32>
      %max3A_293 = arith.maximumf %sub3A_290, %max3A_292 : vector<16x64xf32>
      %mul3A_294 = arith.mulf %max3A_277, %max3A_293 : vector<16x64xf32>
      %mul3A_295 = arith.mulf %sub3A_162, %convert_element_type3A_259 : vector<16x64xf32>
      %reduce_sum3A_296 = arith.constant dense<0.000000e+00> : vector<16xf32>
      %reduce_sum3A_297 = vector.multi_reduction <add>, %mul3A_295, %reduce_sum3A_296 [1] : vector<16x64xf32> to vector<16xf32>
      %broadcast_in_dim3A_298 = vector.shape_cast %reduce_sum3A_297 : vector<16xf32> to vector<16x1xf32>
      %mul3A_299 = arith.mulf %add3A_174, %convert_element_type3A_259 : vector<16x64xf32>
      %reduce_sum3A_300 = arith.constant dense<0.000000e+00> : vector<16xf32>
      %reduce_sum3A_301 = vector.multi_reduction <add>, %mul3A_299, %reduce_sum3A_300 [1] : vector<16x64xf32> to vector<16xf32>
      %broadcast_in_dim3A_302 = vector.shape_cast %reduce_sum3A_301 : vector<16xf32> to vector<16x1xf32>
      %min3A_303 = vector.broadcast %broadcast_in_dim3A_302 : vector<16x1xf32> to vector<16x64xf32>
      %min3A_304 = arith.minimumf %min3A_303, %add3A_174 : vector<16x64xf32>
      %max3A_305 = vector.broadcast %broadcast_in_dim3A_298 : vector<16x1xf32> to vector<16x64xf32>
      %max3A_306 = arith.maximumf %max3A_305, %sub3A_162 : vector<16x64xf32>
      %sub3A_307 = arith.subf %min3A_304, %max3A_306 : vector<16x64xf32>
      %max3A_308 = arith.constant 0.000000e+00 : f32
      %max3A_309 = vector.broadcast %max3A_308 : f32 to vector<16x64xf32>
      %max3A_310 = arith.maximumf %sub3A_307, %max3A_309 : vector<16x64xf32>
      %mul3A_311 = arith.mulf %mul3A_294, %max3A_310 : vector<16x64xf32>
      %add3A_312 = vector.broadcast %broadcast_in_dim3A_263 : vector<16x1xf32> to vector<16x64xf32>
      %add3A_313 = arith.addf %add3A_312, %mul3A_176 : vector<16x64xf32>
      %sub3A_314 = arith.subf %add3A_313, %mul3A_311 : vector<16x64xf32>
      %add3A_315 = arith.constant 9.99999993E-9 : f32
      %add3A_316 = vector.broadcast %add3A_315 : f32 to vector<16x64xf32>
      %add3A_317 = arith.addf %sub3A_314, %add3A_316 : vector<16x64xf32>
      %div3A_318 = arith.divf %mul3A_311, %add3A_317 : vector<16x64xf32>
      %le3A_319 = arith.constant 5.000000e-02 : f32
      %le3A_320 = vector.broadcast %le3A_319 : f32 to vector<16x64xf32>
      %le3A_321 = arith.cmpf ole, %div3A_318, %le3A_320 : vector<16x64xf32>
      %convert_element_type3A_322 = arith.extui %le3A_321 : vector<16x64xi1> to vector<16x64xi32>
      %convert_element_type3A_323 = arith.sitofp %convert_element_type3A_322 : vector<16x64xi32> to vector<16x64xf32>
      %max3A_324 = arith.maximumf %scan3A_237, %convert_element_type3A_259 : vector<16x64xf32>
      %broadcast_in_dim3A_325 = vector.shape_cast %gt3A_248 : vector<16x1xi1> to vector<16x1xi1>
      %broadcast_in_dim3A_326 = vector.broadcast %broadcast_in_dim3A_325 : vector<16x1xi1> to vector<16x64xi1>
      %select_n3A_327 = arith.select %broadcast_in_dim3A_326, %max3A_324, %scan3A_237 : vector<16x64xi1>, vector<16x64xf32>
      %mul3A_328 = arith.mulf %scan3A_236, %convert_element_type3A_323 : vector<16x64xf32>
      %broadcast_in_dim3A_329 = vector.shape_cast %gt3A_248 : vector<16x1xi1> to vector<16x1xi1>
      %broadcast_in_dim3A_330 = vector.broadcast %broadcast_in_dim3A_329 : vector<16x1xi1> to vector<16x64xi1>
      %select_n3A_331 = arith.select %broadcast_in_dim3A_330, %mul3A_328, %scan3A_236 : vector<16x64xi1>, vector<16x64xf32>
      scf.yield %select_n3A_331, %select_n3A_327 : vector<16x64xf32>, vector<16x64xf32>
    }
    %iota3A_186 = tpu.iota {dimensions = array<i32: 0>} : vector<64x64xi32>
    %iota3A_187 = tpu.iota {dimensions = array<i32: 1>} : vector<64x64xi32>
    %le3A = arith.cmpi sle, %iota3A_186, %iota3A_187 : vector<64x64xi32>
    %convert_element_type3A_188 = arith.extui %le3A : vector<64x64xi1> to vector<64x64xi32>
    %convert_element_type3A_189 = arith.sitofp %convert_element_type3A_188 : vector<64x64xi32> to vector<64x64xf32>
    %dot_general3A = arith.constant dense<0.000000e+00> : vector<16x64xf32>
    %dot_general3A_190 = tpu.matmul %scan3A_185#1, %convert_element_type3A_189, %dot_general3A {dimension_numbers = #tpu.dot_dimension_numbers<[1], [0], [0], [1], [0, 0, 1, 1], [], []>, precision = #tpu.contract_precision<fp32>, transpose_lhs_hint = false} : vector<16x64xf32>, vector<64x64xf32>, vector<16x64xf32> -> vector<16x64xf32>
    %sub3A_191 = arith.constant 1.000000e+00 : f32
    %sub3A_192 = vector.broadcast %sub3A_191 : f32 to vector<16x64xf32>
    %sub3A_193 = arith.subf %dot_general3A_190, %sub3A_192 : vector<16x64xf32>
    %iota3A_194 = tpu.iota {dimensions = array<i32: 2>} : vector<1x64x64xi32>
    %convert_element_type3A_195 = arith.sitofp %iota3A_194 : vector<1x64x64xi32> to vector<1x64x64xf32>
    %broadcast_in_dim3A_196 = vector.shape_cast %sub3A_193 : vector<16x64xf32> to vector<16x64x1xf32>
    %eq3A_197 = vector.broadcast %broadcast_in_dim3A_196 : vector<16x64x1xf32> to vector<16x64x64xf32>
    %eq3A_198 = vector.broadcast %convert_element_type3A_195 : vector<1x64x64xf32> to vector<16x64x64xf32>
    %eq3A_199 = arith.cmpf oeq, %eq3A_197, %eq3A_198 : vector<16x64x64xf32>
    %broadcast_in_dim3A_200 = vector.shape_cast %scan3A_185#1 : vector<16x64xf32> to vector<16x64x1xf32>
    %gt3A_201 = arith.constant 0.000000e+00 : f32
    %gt3A_202 = vector.broadcast %gt3A_201 : f32 to vector<16x64x1xf32>
    %gt3A_203 = arith.cmpf ogt, %broadcast_in_dim3A_200, %gt3A_202 : vector<16x64x1xf32>
    %and3A_204 = vector.broadcast %gt3A_203 : vector<16x64x1xi1> to vector<16x64x64xi1>
    %and3A_205 = arith.andi %eq3A_199, %and3A_204 : vector<16x64x64xi1>
    %jit3A_206 = arith.constant 1.000000e+00 : f32
    %jit3A_207 = arith.constant 0.000000e+00 : f32
    %broadcast_in_dim3A_208 = vector.broadcast %jit3A_206 : f32 to vector<16x64x64xf32>
    %broadcast_in_dim3A_209 = vector.broadcast %jit3A_207 : f32 to vector<16x64x64xf32>
    %select_n3A_210 = arith.select %and3A_205, %broadcast_in_dim3A_208, %broadcast_in_dim3A_209 : vector<16x64x64xi1>, vector<16x64x64xf32>
    %broadcast_in_dim3A_211 = arith.constant 1.000000e+00 : f32
    %broadcast_in_dim3A_212 = vector.broadcast %broadcast_in_dim3A_211 : f32 to vector<16x64xf32>
    %stack3A = vector.shape_cast %broadcast_in_dim3A_212 : vector<16x64xf32> to vector<16x1x64xf32>
    %stack3A_213 = vector.shape_cast %div3A_10 : vector<16x64xf32> to vector<16x1x64xf32>
    %stack3A_214 = vector.shape_cast %mul3A_117 : vector<16x64xf32> to vector<16x1x64xf32>
    %stack3A_215 = vector.shape_cast %mul3A_126 : vector<16x64xf32> to vector<16x1x64xf32>
    %stack3A_216 = vector.shape_cast %mul3A_135 : vector<16x64xf32> to vector<16x1x64xf32>
    %stack3A_217 = vector.shape_cast %get3A_140 : vector<16x64xf32> to vector<16x1x64xf32>
    %stack3A_218 = vector.shape_cast %get3A_145 : vector<16x64xf32> to vector<16x1x64xf32>
    %stack3A_219 = vector.shape_cast %get3A_150 : vector<16x64xf32> to vector<16x1x64xf32>
    %stack3A_220 = tpu.concatenate %stack3A, %stack3A_213, %stack3A_214, %stack3A_215, %stack3A_216, %stack3A_217, %stack3A_218, %stack3A_219 in 1 : vector<16x1x64xf32>, vector<16x1x64xf32>, vector<16x1x64xf32>, vector<16x1x64xf32>, vector<16x1x64xf32>, vector<16x1x64xf32>, vector<16x1x64xf32>, vector<16x1x64xf32> -> vector<16x8x64xf32>
    %dot_general3A_221 = arith.constant dense<0.000000e+00> : vector<16x8x64xf32>
    %dot_general3A_222 = tpu.matmul %stack3A_220, %select_n3A_210, %dot_general3A_221 {dimension_numbers = #tpu.dot_dimension_numbers<[2], [1], [1], [2], [0, 0, 0, 1, 1, 2], [0], [0]>, precision = #tpu.contract_precision<fp32>, transpose_lhs_hint = false} : vector<16x8x64xf32>, vector<16x64x64xf32>, vector<16x8x64xf32> -> vector<16x8x64xf32>
    %reduce_sum3A = arith.constant dense<0.000000e+00> : vector<16xf32>
    %reduce_sum3A_223 = vector.multi_reduction <add>, %scan3A_185#1, %reduce_sum3A [1] : vector<16x64xf32> to vector<16xf32>
    %broadcast_in_dim3A_224 = vector.shape_cast %reduce_sum3A_223 : vector<16xf32> to vector<16x1x1xf32>
    %iota3A_225 = tpu.iota {dimensions = array<i32: 2>} : vector<16x8x64xi32>
    %convert_element_type3A_226 = arith.sitofp %iota3A_225 : vector<16x8x64xi32> to vector<16x8x64xf32>
    %lt3A_227 = vector.broadcast %broadcast_in_dim3A_224 : vector<16x1x1xf32> to vector<16x8x64xf32>
    %lt3A_228 = arith.cmpf olt, %convert_element_type3A_226, %lt3A_227 : vector<16x8x64xf32>
    %jit3A_229 = arith.constant -1.000000e+00 : f32
    %broadcast_in_dim3A_230 = vector.broadcast %jit3A_229 : f32 to vector<16x8x64xf32>
    %select_n3A_231 = arith.select %lt3A_228, %dot_general3A_222, %broadcast_in_dim3A_230 : vector<16x8x64xi1>, vector<16x8x64xf32>
    %swap3A = arith.constant 0 : index
    %swap3A_232 = arith.constant 0 : index
    %swap3A_233 = arith.constant 0 : index
    %swap3A_234 = vector.load %arg3[%swap3A, %swap3A_232, %swap3A_233] : memref<16x8x64xf32, #tpu.memory_space<vmem>>, vector<16x8x64xf32>
    tpu.vector_store %arg3[%swap3A, %swap3A_232, %swap3A_233], %select_n3A_231 {strides = array<i32>} : memref<16x8x64xf32, #tpu.memory_space<vmem>>, vector<16x8x64xf32>,
    return
  }
}

</mosaic_0001>

<sc_bundles>
// kernel: kernel.5.cloned.1.call-start
scs
__scs_entry_jumppad:
0x0: {  	(pc) =	sbr.rel $0x88, $3  }
0x1: {  	(tag) =	ssettag $0x0;
	lr =	simm.s32 $0x1  }
0x2: {  	[smem:$0x3F9E] =	sst lr;
	_ =	strace $0xD0000000  }
0x3: {  	_ = 	snop  }
0x4: {  	_ = 	snop  }
0x5: {  	_ = 	snop  }
0x6: {  	_ = 	snop  }
0x7: {  	_ = 	snop  }
__scs_overlays_trampoline_lowered:
0x8: {  	[smem:$0x3FAD] =	sst s0  }
0x9: {  	[smem:$0x3FAE] =	sst s1  }
0xa: {  	[smem:$0x3FAF] =	sst s2  }
0xb: {  	[smem:$0x3FB0] =	sst s3  }
0xc: {  	[smem:$0x3FB1] =	sst s4  }
0xd: {  	[smem:$0x3FB2] =	sst s5  }
0xe: {  	[smem:$0x3FB3] =	sst s6  }
0xf: {  	[smem:$0x3FB4] =	sst s7  }
0x10: {  	[smem:$0x3FB5] =	sst s8  }
0x11: {  	[smem:$0x3FB6] =	sst s9;
	s0 =	simm.s32 @!p0 $0x0  }
0x12: {  	s1 =	sld [smem:$0x3F9C];
	s0 =	simm.s32 @p0 $0x1  }
0x13: {  	[smem:$0x3FB7] =	sst s0;
	s0 =	simm.s32 @!p1 $0x0  }
0x14: {  	s2 =	sld [smem:$0x3F9B];
	s0 =	simm.s32 @p1 $0x1  }
0x15: {  	[smem:$0x3FB8] =	sst s0;
	s0 =	simm.s32 @!p2 $0x0  }
0x16: {  	s3 =	sld [smem:$0x3FDB];
	s0 =	simm.s32 @p2 $0x1  }
0x17: {  	s4 =	simm.s32 $0x1BF5;
	[smem:$0x3FBA] =	sst s0  }
0x18: {  	s0 =	sld [smem:$0x3F9D];
	_ =	swait.ge [sflag:s4], $0x0  }
0x19: {  	s7 =	sld [smem:$0x3F9E]  }
0x1a: {  	s8 =	sadd.s32 $0xFFFFE003, lr  }
0x1b: {  	s9 =	sadd.s32 $0xFFFFFEF7, lr;
	s5 =	simm.s32 $0xFFFFFFFF;
	p2 =	slt.u32 s8, $0xFFFFF086  }
0x1c: {  	p1 =	slt.u32 s9, $0xF7A;
	s5 =	simm.s32 @!p2 $0x0  }
0x1d: {  	s5 =	simm.s32 @p1 $0x1;
	p0 =	seq.s32 s7, s2  }
0x1e: {  	s7 =	smul.u32 @!p0 $0xF7A, s2;
	p2 =	seq.s32 @!p0 s5, $0x0  }
0x1f: {  	s9 =	smul.u32 $0xF7A, s1;
	s8 =	simm.s32 @!p0 $0x1BF5;
	p2 =	por !p2, p0  }
0x20: {  	[sflag:s8] =	ssyncset.s32 @!p0 $0xFFFFF086;
	s6 =	sadd.s32 @!p0 s3, s7;
	s7 =	simm.s32 @!p0 $0x108  }
0x21: {  	s3 =	sadd.s32 s3, s9;
	s6 =	sadd.s32 @!p0 $0x88, s6;
	s7 =	simm.s32 @p2 $0x1082  }
0x22: {  	[simem:s7], [sflag:s8] =	dma.local @!p0 [hbm:s6], $0xF7A  }
0x23: {  	s9 =	sor.u32 $0xD0000000, s2;
	s6 =	simm.s32 $0x108;
	_ =	swait.ge @!p0 [sflag:s8], $0x0  }
0x24: {  	s3 =	sadd.s32 $0x88, s3;
	s6 =	simm.s32 @!p1 $0x1082;
	[sflag:s4] =	ssyncset.s32 $0xFFFFF086  }
0x25: {  	[simem:s6], [sflag:s4] =	dma.local [hbm:s3], $0xF7A  }
0x26: {  	[smem:$0x3F9E] =	sst s1;
	(tag) =	ssettag s2;
	_ =	strace s9  }
0x27: {  	s1 =	sld [smem:$0x3FAE]  }
0x28: {  	s2 =	sld [smem:$0x3FAF]  }
0x29: {  	s4 =	sld [smem:$0x3FB1]  }
0x2a: {  	p0 =	seq.s32 s5, $0x0;
	s5 =	sld [smem:$0x3FB2]  }
0x2b: {  	s6 =	sld [smem:$0x3FB3]  }
0x2c: {  	s7 =	sld [smem:$0x3FB4]  }
0x2d: {  	s3 =	simm.s32 $0x108;
	s8 =	sld [smem:$0x3FB5]  }
0x2e: {  	s3 =	simm.s32 @!p0 $0x1082;
	s9 =	sld [smem:$0x3FB6]  }
0x2f: {  	lr =	sadd.s32 s0, s3;
	s0 =	sld [smem:$0x3FAD]  }
0x30: {  	s3 =	sld [smem:$0x3FB0]  }
0x31: {  	[smem:$0x3FB9] =	sst s10  }
0x32: {  	s10 =	sld [smem:$0x3FB7];
	_ =	sdelay $0x3  }
0x33: {  	p0 =	seq.s32 s10, $0x1;
	s10 =	sld [smem:$0x3FB9];
	_ =	sdelay $0x3  }
0x34: {  	[smem:$0x3FB9] =	sst s10  }
0x35: {  	s10 =	sld [smem:$0x3FB8];
	_ =	sdelay $0x3  }
0x36: {  	p1 =	seq.s32 s10, $0x1;
	s10 =	sld [smem:$0x3FB9];
	_ =	sdelay $0x3  }
0x37: {  	[smem:$0x3FB9] =	sst s10  }
0x38: {  	s10 =	sld [smem:$0x3FBA]  }
0x39: {  	_ = 	snop;
	(pc) =	sbr.ind lr, $3  }
0x3a: {  	_ = 	snop  }
0x3b: {  	_ = 	snop  }
0x3c: {  	p2 =	seq.s32 s10, $0x1;
	s10 =	sld [smem:$0x3FB9]  }
0x3d: {  	_ =	shalt  }
0x3e: {  	_ =	shalt  }
0x3f: {  	_ =	shalt  }
0x40: {  	_ =	shalt  }
0x41: {  	_ =	shalt  }
0x42: {  	_ =	shalt  }
0x43: {  	_ =	shalt  }
0x44: {  	_ =	shalt  }
0x45: {  	_ =	shalt  }
0x46: {  	_ =	shalt  }
0x47: {  	_ =	shalt  }
0x48: {  	_ =	shalt  }
0x49: {  	_ =	shalt  }
0x4a: {  	_ =	shalt  }
0x4b: {  	_ =	shalt  }
0x4c: {  	_ =	shalt  }
0x4d: {  	_ =	shalt  }
0x4e: {  	_ =	shalt  }
0x4f: {  	_ =	shalt  }
0x50: {  	_ =	shalt  }
0x51: {  	_ =	shalt  }
0x52: {  	_ =	shalt  }
0x53: {  	_ =	shalt  }
0x54: {  	_ =	shalt  }
0x55: {  	_ =	shalt  }
0x56: {  	_ =	shalt  }
0x57: {  	_ =	shalt  }
0x58: {  	_ =	shalt  }
0x59: {  	_ =	shalt  }
0x5a: {  	_ =	shalt  }
0x5b: {  	_ =	shalt  }
0x5c: {  	_ =	shalt  }
0x5d: {  	_ =	shalt  }
0x5e: {  	_ =	shalt  }
0x5f: {  	_ =	shalt  }
0x60: {  	_ =	shalt  }
0x61: {  	_ =	shalt  }
0x62: {  	_ =	shalt  }
0x63: {  	_ =	shalt  }
0x64: {  	_ =	shalt  }
0x65: {  	_ =	shalt  }
0x66: {  	_ =	shalt  }
0x67: {  	_ =	shalt  }
0x68: {  	_ =	shalt  }
0x69: {  	_ =	shalt  }
0x6a: {  	_ =	shalt  }
0x6b: {  	_ =	shalt  }
0x6c: {  	_ =	shalt  }
0x6d: {  	_ =	shalt  }
0x6e: {  	_ =	shalt  }
0x6f: {  	_ =	shalt  }
0x70: {  	_ =	shalt  }
0x71: {  	_ =	shalt  }
0x72: {  	_ =	shalt  }
0x73: {  	_ =	shalt  }
0x74: {  	_ =	shalt  }
0x75: {  	_ =	shalt  }
0x76: {  	_ =	shalt  }
0x77: {  	_ =	shalt  }
0x78: {  	_ =	shalt  }
0x79: {  	_ =	shalt  }
0x7a: {  	_ =	shalt  }
0x7b: {  	_ =	shalt  }
0x7c: {  	_ =	shalt  }
0x7d: {  	_ =	shalt  }
0x7e: {  	_ =	shalt  }
0x7f: {  	_ =	shalt  }
0x80: {  	_ =	shalt  }
0x81: {  	_ =	shalt  }
0x82: {  	_ =	shalt  }
0x83: {  	_ =	shalt  }
0x84: {  	_ =	shalt  }
0x85: {  	_ =	shalt  }
0x86: {  	_ =	shalt  }
0x87: {  	_ =	shalt  }
.Lfunc_end0:
.L_simem_size_0:
called_computation_lowered:
.L_overlay_start_0:
0x88: {  	s2 =	sld [smem:$0x3FD9]  }
0x89: {  	s3 =	sld [smem:$0x3FFE];
	_ =	sdelay $0x1  }
0x8a: {  	s1 =	srdreg.scid  }
0x8b: {  	s0 =	sand.u32 $0x1, s1  }
0x8c: {  	s17 =	sshll.u32 s0, $0xA;
	s2 =	sadd.s32 s3, s2  }
0x8d: {  	s2 =	sadd.s32 s2, s17  }
0x8e: {  	[smem:$0x3FC5] =	sst s2  }
0x8f: {  	_ = 	snop  }
0x90: {  	s2 =	sld [smem:$0x3FD0];
	(tm) =	ssettm $0x1  }
0x91: {  	s18 =	sld [smem:$0x3FFB];
	_ =	sdelay $0x3  }
0x92: {  	_ =	strace s18  }
0x93: {  	s3 =	sld [smem:$0x3FFC];
	_ =	sdelay $0x3  }
0x94: {  	_ =	strace s3  }
0x95: {  	s3 =	sld [smem:$0x3FFD];
	_ =	sdelay $0x3  }
0x96: {  	_ =	strace s3  }
0x97: {  	_ =	strace $0x8FFFFFFF  }
0x98: {  	s19 =	sld [smem:$0x3FDB];
	_ =	sdelay $0x1  }
0x99: {  	s4 =	simm.s32 $_scs_section_size  }
0x9a: {  	s5 =	simm.s32 $_size__tile_overlayer_lowered;
	s6 =	simm.s32 $_tile_overlayer_lowered  }
0x9b: {  	s22 =	simm.s32 $0x1BFF;
	s21 =	sshll.u32 s6, $0x1;
	s3 =	sadd.s32 s4, s19  }
0x9c: {  	s7 =	simm.s32 $0x0;
	s20 =	sshll.u32 s5, $0x1;
	s5 =	sadd.s32 s21, s3  }
0x9d: {  	[timem:s7], [sflag:s22] =	dma.local [hbm:s5], s20  }
0x9e: {  	_ =	swait.ge [sflag:s22], s20  }
0x9f: {  	s4 =	ssub.s32 $0x0, s20;
	[sflag:s22] =	ssyncset.done $0x0  }
0xa0: {  	[sflag:s22] =	ssyncadd.s32 s4;
	_ =	sdelay $0x1  }
0xa1: {  	s23 =	simm.s32 $0x1B8B  }
0xa2: {  	_ =	swait.ge [sflag:s23], $0x1  }
0xa3: {  	[sflag:s23] =	ssyncset.done $0x0  }
0xa4: {  	s25 =	simm.s32 $0x1B8E;
	s24 =	sld [smem:$0x3FFE];
	[sflag:s23] =	ssyncadd.s32 $0xFFFFFFFF  }
0xa5: {  	s26 =	simm.s32 $execute0_lowered;
	[smem:$0x3FD2] =	sst s25  }
0xa6: {  	s5 =	sshll.u32 s26, $0x1;
	_ =	strace $0x80000046;
	[dreg:$0x1] =	wrdreg $0xFFFFFFFF  }
0xa7: {  	s28 =	simm.s32 $_size_execute0_lowered;
	s3 =	sadd.s32 s3, s5;
	[dreg:$0x0] =	wrdreg $0x0  }
0xa8: {  	s5 =	sshll.u32 s28, $0x1;
	[dreg:$0x2] =	wrdreg s3  }
0xa9: {  	[dreg:$0x3] =	wrdreg s5  }
0xaa: {  	[dreg:$0x4] =	wrdreg $0xC0  }
0xab: {  	_ =	task [dreg:s7], $0x5FFFF  }
0xac: {  	[dreg:$0x1] =	wrdreg $0xFFFFFFFF  }
0xad: {  	[dreg:$0x0] =	wrdreg $0x60  }
0xae: {  	[dreg:$0x2] =	wrdreg s24  }
0xaf: {  	[dreg:$0x3] =	wrdreg s2  }
0xb0: {  	[dreg:$0x4] =	wrdreg $0x9  }
0xb1: {  	_ =	task.clear_ibuf [dreg:s7], $0x5FFFF;
	_ =	strace $0x90000046  }
0xb2: {  	s29 =	simm.s32 $0x9;
	_ =	strace $0x80000048  }
0xb3: {  	_ =	swait.ge [sflag:s29], $0x1  }
0xb4: {  	[sflag:s29] =	ssyncadd.s32 $0xFFFFFFFF  }
0xb5: {  	_ =	strace $0x90000048  }
0xb6: {  	_ =	sfence  }
0xb7: {  	s30 =	sld [smem:$0x0];
	_ =	sdelay $0x2  }
0xb8: {  	s31 =	sshll.u32 s1, $0xD;
	s1 =	sshrl.u32 s1, $0x2  }
0xb9: {  	s3 =	sand.u32 $0x4000, s31;
	s1 =	sadd.s32 s1, s30  }
0xba: {  	s0 =	sor.u32 s3, s0;
	s1 =	sshll.u32 s1, $0x11  }
0xbb: {  	s0 =	sor.u32 s1, s0  }
0xbc: {  	s0 =	sadd.s32 $0x8F2B, s0  }
0xbd: {  	[sflag:s0] =	ssyncadd.remote.s32 $0x1  }
0xbe: {  	_ =	sfence.sel $0xFFFF  }
0xbf: {  	[dreg:$0x0] =	wrdreg $0xFFFFFFFF;
	(pc) =	sbr.abs _section_cstart, $3  }
0xc0: {  	[dreg:$0x1] =	wrdreg $0xFFFFFFFF  }
0xc1: {  	_ =	task.clear_ibuf [dreg:s7], $0x2FFFF;
	_ =	strace $0x9FFFFFFF  }
0xc2: {  	(tm) =	ssettm $0x7FFFFFFF  }
0xc3: {  	_ =	shalt  }
tec
execute0_lowered:
.L_overlay_start_1:
0x0: {  	(tag) =	ssettag $0x1  }
0x1: {  	s1 =	srdreg.scid;
	s0 =	stileid.u32  }
0x2: {  	s6 =	sand.u32 $0x1, s1;
	s30 =	sshll.u32 s0, $0x1  }
0x3: {  	s5 =	rddreg [dreg:$0x0];
	s2 =	sor.u32 s6, s30  }
0x4: {  	s10 =	rddreg [dreg:$0x1];
	s9 =	smul.u32 $0xC0, s2  }
0x5: {  	s8 =	simm.s32 $0x1;
	s1 =	rddreg [dreg:$0x2]  }
0x6: {  	p0 =	slt.u32 s0, $0x8;
	s11 =	smul.u32 $0x18, s2;
	s3 =	sadd.s32 $0xFFFFF400, s9  }
0x7: {  	s7 =	sadd.s32 $0xA2800, s5;
	s12 =	ssub.s32 $0x2, s6;
	s3 =	sshrl.u32 s3, $0x3  }
0x8: {  	s6 =	simm.s32 $0xC0;
	s2 =	simm.s32 $0x0;
	s3 =	smov.u32 @p0 s11  }
0x9: {  	s13 =	sshrl.u32 s12, $0x1;
	[smem:$0x7FF] =	sst s2;
	s3 =	sadd.s32 s3, s5  }
0xa: {  	_ =	strace $0x80000047;
	s4 =	sadd.s32 $0x600, s3;
	s3 =	simm.s32 $0x2  }
0xb: {  	[tilespmem:s2], [sflag:$0x2] =	stream.linear.gather [hbm4b:s4+s2], $0xC0, $0x38;
	[tilespmem:$0x200] =	vst v63  }
0xc: {  	s12 =	ssub.s32 s12, s13;
	s9 =	sshrl.u32 s9, $0x3;
	_ =	swait.ge [sflag:s3], $0xC0  }
0xd: {  	s31 =	smax.u32 s12, $0x1;
	s5 =	sadd.s32 $0x800, s5;
	[sflag:s3] =	ssyncset.done $0x0  }
0xe: {  	s5 =	smov.u32 @p0 s7;
	s7 =	simm.s32 $0x100;
	[sflag:s3] =	ssyncadd.s32 $0xFFFFFF40  }
0xf: {  	[tilespmem:s7], [sflag:$0x1] =	stream.indirect.gather [hbm4b:s5+s6], $0x1, s2, s6, $0xb8;
	[tilespmem:$0x200] =	vst v63  }
0x10: {  	s9 =	smov.u32 @p0 s11;
	p0 =	sne.s32 s31, $0x1;
	_ =	swait.ge [sflag:s8], $0xC0  }
.Ltmp0:
0x11: {  	[sflag:s8] =	ssyncset.done $0x0;
	(pc) =	sbr.rel @!p0 .LBB2_2-.Ltmp0, $4  }
0x12: {  	s9 =	sadd.s32 s10, s9;
	[sflag:s8] =	ssyncadd.s32 $0xFFFFFF40  }
0x13: {  	[hbm4b:s9+s2] =	stream.linear.scatter [tilespmem:s7], [sflag:$0x2], $0xC0, $0x38;
	[tilespmem:$0x200] =	vst v63  }
0x14: {  	_ =	swait.ge [sflag:s3], $0xC0  }
0x15: {  	s10 =	sadd.s32 $0xFFFFFFFF, s31;
	[sflag:s3] =	ssyncset.done $0x0  }
.LBB2_1:
0x16: {  	p0 =	sne.s32 s10, $0x1;
	s10 =	sadd.s32 $0xFFFFFFFF, s10;
	[sflag:s3] =	ssyncadd.s32 $0xFFFFFF40  }
0x17: {  	[tilespmem:s2], [sflag:$0x2] =	stream.linear.gather [hbm4b:s4+s2], $0xC0, $0x38;
	[tilespmem:$0x200] =	vst v63  }
0x18: {  	_ =	swait.ge [sflag:s3], $0xC0  }
0x19: {  	[sflag:s3] =	ssyncset.done $0x0  }
0x1a: {  	[sflag:s3] =	ssyncadd.s32 $0xFFFFFF40  }
0x1b: {  	[tilespmem:s7], [sflag:$0x1] =	stream.indirect.gather [hbm4b:s5+s6], $0x1, s2, s6, $0xb8;
	[tilespmem:$0x200] =	vst v63  }
0x1c: {  	_ =	swait.ge [sflag:s8], $0xC0  }
.Ltmp1:
0x1d: {  	[sflag:s8] =	ssyncset.done $0x0;
	(pc) =	sbr.rel @p0 .LBB2_1-.Ltmp1, $4  }
0x1e: {  	[sflag:s8] =	ssyncadd.s32 $0xFFFFFF40  }
0x1f: {  	[hbm4b:s9+s2] =	stream.linear.scatter [tilespmem:s7], [sflag:$0x2], $0xC0, $0x38;
	[tilespmem:$0x200] =	vst v63  }
0x20: {  	_ =	swait.ge [sflag:s3], $0xC0  }
0x21: {  	[sflag:s3] =	ssyncset.done $0x0  }
.LBB2_2:
0x22: {  	[sflag:s3] =	ssyncadd.s32 $0xFFFFFF40  }
0x23: {  	_ =	sfence.sel $0x180000  }
0x24: {  	[bflag:$0x0] =	sbarrier.arrive $0xFFFF  }
0x25: {  	p0 =	sne.s32 s0, $0x0;
	_ =	strace $0x90000047  }
0x26: {  	s0 =	sadd.s32 @!p0 $0x100000, s1;
	[bflag:$0x2] =	sbarrier.arrive $0xFFFF  }
0x27: {  	[sflag:s0] =	ssyncadd.tile.s32 @!p0 $0x1;
	_ =	shalt  }
.Lfunc_end2:
_tile_overlayer_lowered:
.L_overlay_start_2:
0x28: {  	(tag) =	ssettag $0x2  }
0x29: {  	s0 =	rddreg [dreg:$0x0];
	s2 =	stileid.u32  }
0x2a: {  	s1 =	rddreg [dreg:$0x1];
	p0 =	sne.s32 s2, $0x0  }
0x2b: {  	s3 =	rddreg [dreg:$0x2];
	[bflag:$0x3] =	sbarrier.arrive $0xFFFF;
	s2 =	simm.s32 @!p0 $0x1C02  }
0x2c: {  	[timem:s3], [sflag:s2] =	dma.local @!p0 [hbm:s0], s1  }
0x2d: {  	s0 =	simm.s32 @!p0 $0x2  }
0x2e: {  	_ =	swait.ge @!p0 [sflag:s0], s1  }
0x2f: {  	s1 =	ssub.s32 @!p0 $0x0, s1;
	[sflag:s0] =	ssyncset.done @!p0 $0x0  }
0x30: {  	[sflag:s0] =	ssyncadd.s32 @!p0 s1  }
0x31: {  	[bflag:$0x3] =	sbarrier.arrive $0xFFFF  }
0x32: {  	_ =	shalt  }

</sc_bundles>
